<compile_context>
chip_gen: v7x
topology: tpu7x:2x2x1
jax: 0.10.2.dev20260603
libtpu: 0.0.44.dev20260713+nightly
codegen_flags: <defaults>
</compile_context>

<pallas_src>
import functools

import jax
import jax.numpy as jnp
from jax import lax
from jax.experimental import pallas as pl
from jax.experimental.pallas import tpu as pltpu
from jax.experimental.pallas import tpu_sc as plsc

BATCH = 4096
HIST = 50
EMBED = 128
NUM_WORKERS = 32
COLS_PER_W = BATCH // NUM_WORKERS
NBUF = 4

_mesh = plsc.VectorSubcoreMesh(core_axis_name="c", subcore_axis_name="s")


@functools.partial(
    pl.kernel,
    out_type=jax.ShapeDtypeStruct((HIST, BATCH, EMBED), jnp.float32),
    mesh=_mesh,
    scratch_types=[
        pltpu.VMEM((HIST, COLS_PER_W), jnp.int32),
        pltpu.VMEM((NBUF, COLS_PER_W, EMBED), jnp.float32),
        pltpu.SemaphoreType.DMA,
        pltpu.SemaphoreType.DMA,
    ],
)
def _emb_gather(idx_hbm, table_hbm, out_hbm, idx_v, rows_v, gsem, ssem):
    wid = lax.axis_index("s") * 2 + lax.axis_index("c")
    base = wid * COLS_PER_W
    pltpu.sync_copy(idx_hbm.at[pl.ds(0, 8), pl.ds(base, COLS_PER_W)],
                    idx_v.at[pl.ds(0, 8)])

    def g_copy(h):
        return pltpu.make_async_copy(
            table_hbm.at[idx_v.at[h]], rows_v.at[h % NBUF], gsem)

    def s_copy(h):
        return pltpu.make_async_copy(
            rows_v.at[h % NBUF], out_hbm.at[h, pl.ds(base, COLS_PER_W)], ssem)

    for h in range(NBUF - 1):
        g_copy(h).start()
    pltpu.sync_copy(idx_hbm.at[pl.ds(8, HIST - 8), pl.ds(base, COLS_PER_W)],
                    idx_v.at[pl.ds(8, HIST - 8)])

    @pl.loop(0, HIST)
    def _body(h):
        @pl.when(h > 0)
        def _():
            s_copy(h - 1).wait()

        @pl.when(h + NBUF - 1 < HIST)
        def _():
            g_copy(h + NBUF - 1).start()

        g_copy(h).wait()
        s_copy(h).start()

    s_copy(HIST - 1).wait()


def kernel(x, table):
    xt = x.astype(jnp.int32).T
    out_t = _emb_gather(xt, table)
    return jnp.transpose(out_t, (1, 0, 2))

# --- scband reference (transcript-rebuilt; emitter-appended) ---
"""Pipeline reference for scband-embedding-5686536700387 (READ-ONLY COPY).

The authoritative reference and input builder live on the scoring server;
editing this copy changes nothing except your own understanding.
"""

import jax, jax.numpy as jnp
import numpy as np

NUM_VOCAB = 100000
EMBED_DIM = 128
BATCH = 4096
HIST = 50

def setup_inputs(seed: int = 0) -> dict:
    key = jax.random.key(seed)
    k_idx, k_tab = jax.random.split(key)
    x = jax.random.randint(k_idx, (BATCH, HIST), 0, NUM_VOCAB, dtype=jnp.int64)
    # nn.Embedding default init: N(0, 1)
    table = jax.random.normal(k_tab, (NUM_VOCAB, EMBED_DIM), dtype=jnp.float32)
    return {"x": x, "table": table}

def reference(x, table):
    # nn.Embedding lookup: gather rows of table by indices
    out = jnp.take(table, x, axis=0)
    return out

if __name__ == "__main__":
    import jax
    _d = setup_inputs()
    print(jax.jit(kernel)(*tuple(_d.values())))

</pallas_src>

<mosaic_0001>
#map = affine_map<(d0, d1) -> (0, 0)>
#map1 = affine_map<(d0, d1) -> (0, 0, 0)>
module attributes {stable_mosaic.version = 14 : i64} {
  func.func @_emb_gather(%arg0: i32, %arg1: i32, %arg2: memref<50x4096xi32, #tpu.memory_space<hbm>>, %arg3: memref<100000x128xf32, #tpu.memory_space<hbm>>, %arg4: memref<50x4096x128xf32, #tpu.memory_space<hbm>>, %arg5: memref<50x128xi32, #tpu.memory_space<vmem>>, %arg6: memref<4x128x128xf32, #tpu.memory_space<vmem>>, %arg7: memref<!tpu.dma_semaphore, #tpu.memory_space<semaphore_mem>>, %arg8: memref<!tpu.dma_semaphore, #tpu.memory_space<semaphore_mem>>) attributes {dimension_semantics = [#tpu.dimension_semantics<core_parallel>, #tpu.dimension_semantics<subcore_parallel>], iteration_bounds = array<i64: 2, 16>, scalar_prefetch = 0 : i64, scratch_operands = 4 : i64, tpu.core_type = #tpu.core_type<sc_vector_subcore>, window_params = [{transform_indices = #map}, {transform_indices = #map}, {transform_indices = #map1}]} {
    %mul3A = arith.constant 2 : i32
    %mul3A_0 = arith.muli %arg1, %mul3A : i32
    %add3A = arith.addi %mul3A_0, %arg0 : i32
    %mul3A_1 = arith.constant 128 : i32
    %mul3A_2 = arith.muli %add3A, %mul3A_1 : i32
    "tpu.region"() ({
      %run_scoped3A = tpu.sem_alloc : memref<!tpu.dma_semaphore, #tpu.memory_space<semaphore_mem>>
      %dma_start3A_57 = arith.constant 0 : i32
      %dma_start3A_58 = arith.constant 0 : i32
      %dma_start3A_59 = tpu.memref_slice %arg5[%dma_start3A_57, %dma_start3A_58] : memref<50x128xi32, #tpu.memory_space<vmem>> -> memref<8x128xi32, #tpu.memory_space<vmem>>
      %dma_start3A_60 = arith.constant 0 : i32
      %dma_start3A_61 = tpu.memref_slice %arg2[%dma_start3A_60, %mul3A_2] : memref<50x4096xi32, #tpu.memory_space<hbm>> -> memref<8x128xi32, #tpu.memory_space<hbm>>
      %dma_start3A_62 = arith.constant 0 : i32
      %dma_start3A_63 = arith.constant 0 : i32
      %dma_start3A_64 = tpu.memref_slice %arg5[%dma_start3A_62, %dma_start3A_63] : memref<50x128xi32, #tpu.memory_space<vmem>> -> memref<8x128xi32, #tpu.memory_space<vmem>>
      %dma_start3A_65 = arith.constant 0 : i32
      %dma_start3A_66 = tpu.memref_slice %arg2[%dma_start3A_65, %mul3A_2] : memref<50x4096xi32, #tpu.memory_space<hbm>> -> memref<8x128xi32, #tpu.memory_space<hbm>>
      tpu.enqueue_dma source(%dma_start3A_66 : memref<8x128xi32, #tpu.memory_space<hbm>>) target(%dma_start3A_64 : memref<8x128xi32, #tpu.memory_space<vmem>>) target_semaphore(%run_scoped3A : memref<!tpu.dma_semaphore, #tpu.memory_space<semaphore_mem>>)
      %dma_wait3A_67 = arith.constant 0 : i32
      %dma_wait3A_68 = arith.constant 0 : i32
      %dma_wait3A_69 = tpu.memref_slice %arg5[%dma_wait3A_67, %dma_wait3A_68] : memref<50x128xi32, #tpu.memory_space<vmem>> -> memref<8x128xi32, #tpu.memory_space<vmem>>
      %dma_wait3A_70 = arith.constant 0 : i32
      %dma_wait3A_71 = tpu.memref_slice %arg2[%dma_wait3A_70, %mul3A_2] : memref<50x4096xi32, #tpu.memory_space<hbm>> -> memref<8x128xi32, #tpu.memory_space<hbm>>
      %dma_wait3A_72 = arith.constant 0 : i32
      %dma_wait3A_73 = arith.constant 0 : i32
      %dma_wait3A_74 = tpu.memref_slice %arg5[%dma_wait3A_72, %dma_wait3A_73] : memref<50x128xi32, #tpu.memory_space<vmem>> -> memref<8x128xi32, #tpu.memory_space<vmem>>
      %dma_wait3A_75 = arith.constant 0 : i32
      %dma_wait3A_76 = tpu.memref_slice %arg2[%dma_wait3A_75, %mul3A_2] : memref<50x4096xi32, #tpu.memory_space<hbm>> -> memref<8x128xi32, #tpu.memory_space<hbm>>
      tpu.wait_dma2 semaphore(%run_scoped3A : memref<!tpu.dma_semaphore, #tpu.memory_space<semaphore_mem>>) src(%dma_wait3A_76 : memref<8x128xi32, #tpu.memory_space<hbm>>) dst(%dma_wait3A_74 : memref<8x128xi32, #tpu.memory_space<vmem>>)
      tpu.yield
    }) : () -> ()
    %dma_start3A = arith.constant 0 : i32
    %dma_start3A_3 = arith.constant 0 : i32
    %dma_start3A_4 = arith.constant 0 : i32
    %dma_start3A_5 = arith.constant 0 : i32
    %dma_start3A_6 = tpu.memref_slice %arg6[%dma_start3A_3, %dma_start3A_4, %dma_start3A_5] : memref<4x128x128xf32, #tpu.memory_space<vmem>> -> memref<1x128x128xf32, #tpu.memory_space<vmem>>
    %dma_start3A_7 = tpu.memref_squeeze %dma_start3A_6 : memref<1x128x128xf32, #tpu.memory_space<vmem>> -> memref<128x128xf32, #tpu.memory_space<vmem>>
    %dma_start3A_8 = arith.constant 0 : i32
    %dma_start3A_9 = tpu.memref_slice %arg5[%dma_start3A, %dma_start3A_8] : memref<50x128xi32, #tpu.memory_space<vmem>> -> memref<1x128xi32, #tpu.memory_space<vmem>>
    %dma_start3A_10 = tpu.memref_squeeze %dma_start3A_9 : memref<1x128xi32, #tpu.memory_space<vmem>> -> memref<128xi32, #tpu.memory_space<vmem>>
    %dma_start3A_11 = arith.constant 0 : i32
    %dma_start3A_12 = arith.constant 0 : i32
    %dma_start3A_13 = tpu.memref_slice %arg3[%dma_start3A_11, %dma_start3A_12] : memref<100000x128xf32, #tpu.memory_space<hbm>> -> memref<100000x128xf32, #tpu.memory_space<hbm>>
    tpu.enqueue_indirect_dma source(%dma_start3A_13 : memref<100000x128xf32, #tpu.memory_space<hbm>>) target(%dma_start3A_7 : memref<128x128xf32, #tpu.memory_space<vmem>>) offsets(%dma_start3A_10 : memref<128xi32, #tpu.memory_space<vmem>>) semaphore(%arg7 : memref<!tpu.dma_semaphore, #tpu.memory_space<semaphore_mem>>)
    %dma_start3A_14 = arith.constant 1 : i32
    %dma_start3A_15 = arith.constant 1 : i32
    %dma_start3A_16 = arith.constant 0 : i32
    %dma_start3A_17 = arith.constant 0 : i32
    %dma_start3A_18 = tpu.memref_slice %arg6[%dma_start3A_15, %dma_start3A_16, %dma_start3A_17] : memref<4x128x128xf32, #tpu.memory_space<vmem>> -> memref<1x128x128xf32, #tpu.memory_space<vmem>>
    %dma_start3A_19 = tpu.memref_squeeze %dma_start3A_18 : memref<1x128x128xf32, #tpu.memory_space<vmem>> -> memref<128x128xf32, #tpu.memory_space<vmem>>
    %dma_start3A_20 = arith.constant 0 : i32
    %dma_start3A_21 = tpu.memref_slice %arg5[%dma_start3A_14, %dma_start3A_20] : memref<50x128xi32, #tpu.memory_space<vmem>> -> memref<1x128xi32, #tpu.memory_space<vmem>>
    %dma_start3A_22 = tpu.memref_squeeze %dma_start3A_21 : memref<1x128xi32, #tpu.memory_space<vmem>> -> memref<128xi32, #tpu.memory_space<vmem>>
    %dma_start3A_23 = arith.constant 0 : i32
    %dma_start3A_24 = arith.constant 0 : i32
    %dma_start3A_25 = tpu.memref_slice %arg3[%dma_start3A_23, %dma_start3A_24] : memref<100000x128xf32, #tpu.memory_space<hbm>> -> memref<100000x128xf32, #tpu.memory_space<hbm>>
    tpu.enqueue_indirect_dma source(%dma_start3A_25 : memref<100000x128xf32, #tpu.memory_space<hbm>>) target(%dma_start3A_19 : memref<128x128xf32, #tpu.memory_space<vmem>>) offsets(%dma_start3A_22 : memref<128xi32, #tpu.memory_space<vmem>>) semaphore(%arg7 : memref<!tpu.dma_semaphore, #tpu.memory_space<semaphore_mem>>)
    %dma_start3A_26 = arith.constant 2 : i32
    %dma_start3A_27 = arith.constant 2 : i32
    %dma_start3A_28 = arith.constant 0 : i32
    %dma_start3A_29 = arith.constant 0 : i32
    %dma_start3A_30 = tpu.memref_slice %arg6[%dma_start3A_27, %dma_start3A_28, %dma_start3A_29] : memref<4x128x128xf32, #tpu.memory_space<vmem>> -> memref<1x128x128xf32, #tpu.memory_space<vmem>>
    %dma_start3A_31 = tpu.memref_squeeze %dma_start3A_30 : memref<1x128x128xf32, #tpu.memory_space<vmem>> -> memref<128x128xf32, #tpu.memory_space<vmem>>
    %dma_start3A_32 = arith.constant 0 : i32
    %dma_start3A_33 = tpu.memref_slice %arg5[%dma_start3A_26, %dma_start3A_32] : memref<50x128xi32, #tpu.memory_space<vmem>> -> memref<1x128xi32, #tpu.memory_space<vmem>>
    %dma_start3A_34 = tpu.memref_squeeze %dma_start3A_33 : memref<1x128xi32, #tpu.memory_space<vmem>> -> memref<128xi32, #tpu.memory_space<vmem>>
    %dma_start3A_35 = arith.constant 0 : i32
    %dma_start3A_36 = arith.constant 0 : i32
    %dma_start3A_37 = tpu.memref_slice %arg3[%dma_start3A_35, %dma_start3A_36] : memref<100000x128xf32, #tpu.memory_space<hbm>> -> memref<100000x128xf32, #tpu.memory_space<hbm>>
    tpu.enqueue_indirect_dma source(%dma_start3A_37 : memref<100000x128xf32, #tpu.memory_space<hbm>>) target(%dma_start3A_31 : memref<128x128xf32, #tpu.memory_space<vmem>>) offsets(%dma_start3A_34 : memref<128xi32, #tpu.memory_space<vmem>>) semaphore(%arg7 : memref<!tpu.dma_semaphore, #tpu.memory_space<semaphore_mem>>)
    "tpu.region"() ({
      %run_scoped3A = tpu.sem_alloc : memref<!tpu.dma_semaphore, #tpu.memory_space<semaphore_mem>>
      %dma_start3A_57 = arith.constant 8 : i32
      %dma_start3A_58 = arith.constant 0 : i32
      %dma_start3A_59 = tpu.memref_slice %arg5[%dma_start3A_57, %dma_start3A_58] : memref<50x128xi32, #tpu.memory_space<vmem>> -> memref<42x128xi32, #tpu.memory_space<vmem>>
      %dma_start3A_60 = arith.constant 8 : i32
      %dma_start3A_61 = tpu.memref_slice %arg2[%dma_start3A_60, %mul3A_2] : memref<50x4096xi32, #tpu.memory_space<hbm>> -> memref<42x128xi32, #tpu.memory_space<hbm>>
      %dma_start3A_62 = arith.constant 8 : i32
      %dma_start3A_63 = arith.constant 0 : i32
      %dma_start3A_64 = tpu.memref_slice %arg5[%dma_start3A_62, %dma_start3A_63] : memref<50x128xi32, #tpu.memory_space<vmem>> -> memref<42x128xi32, #tpu.memory_space<vmem>>
      %dma_start3A_65 = arith.constant 8 : i32
      %dma_start3A_66 = tpu.memref_slice %arg2[%dma_start3A_65, %mul3A_2] : memref<50x4096xi32, #tpu.memory_space<hbm>> -> memref<42x128xi32, #tpu.memory_space<hbm>>
      tpu.enqueue_dma source(%dma_start3A_66 : memref<42x128xi32, #tpu.memory_space<hbm>>) target(%dma_start3A_64 : memref<42x128xi32, #tpu.memory_space<vmem>>) target_semaphore(%run_scoped3A : memref<!tpu.dma_semaphore, #tpu.memory_space<semaphore_mem>>)
      %dma_wait3A_67 = arith.constant 8 : i32
      %dma_wait3A_68 = arith.constant 0 : i32
      %dma_wait3A_69 = tpu.memref_slice %arg5[%dma_wait3A_67, %dma_wait3A_68] : memref<50x128xi32, #tpu.memory_space<vmem>> -> memref<42x128xi32, #tpu.memory_space<vmem>>
      %dma_wait3A_70 = arith.constant 8 : i32
      %dma_wait3A_71 = tpu.memref_slice %arg2[%dma_wait3A_70, %mul3A_2] : memref<50x4096xi32, #tpu.memory_space<hbm>> -> memref<42x128xi32, #tpu.memory_space<hbm>>
      %dma_wait3A_72 = arith.constant 8 : i32
      %dma_wait3A_73 = arith.constant 0 : i32
      %dma_wait3A_74 = tpu.memref_slice %arg5[%dma_wait3A_72, %dma_wait3A_73] : memref<50x128xi32, #tpu.memory_space<vmem>> -> memref<42x128xi32, #tpu.memory_space<vmem>>
      %dma_wait3A_75 = arith.constant 8 : i32
      %dma_wait3A_76 = tpu.memref_slice %arg2[%dma_wait3A_75, %mul3A_2] : memref<50x4096xi32, #tpu.memory_space<hbm>> -> memref<42x128xi32, #tpu.memory_space<hbm>>
      tpu.wait_dma2 semaphore(%run_scoped3A : memref<!tpu.dma_semaphore, #tpu.memory_space<semaphore_mem>>) src(%dma_wait3A_76 : memref<42x128xi32, #tpu.memory_space<hbm>>) dst(%dma_wait3A_74 : memref<42x128xi32, #tpu.memory_space<vmem>>)
      tpu.yield
    }) : () -> ()
    %scan3A = arith.constant 0 : i32
    %scan3A_38 = arith.constant 50 : i32
    %scan3A_39 = arith.addi %scan3A, %scan3A_38 : i32
    %scan3A_40 = arith.constant 1 : i32
    scf.for %scan3A_57 = %scan3A to %scan3A_39 step %scan3A_40  : i32 {
      %mul3A_58 = arith.constant 1 : i32
      %mul3A_59 = arith.muli %scan3A_57, %mul3A_58 : i32
      %add3A_60 = arith.constant 0 : i32
      %add3A_61 = arith.addi %add3A_60, %mul3A_59 : i32
      %gt3A = arith.constant 0 : i32
      %gt3A_62 = arith.cmpi sgt, %add3A_61, %gt3A : i32
      %convert_element_type3A = arith.extui %gt3A_62 : i1 to i32
      %cond3A = arith.constant 0 : i32
      %cond3A_63 = arith.cmpi ne, %convert_element_type3A, %cond3A : i32
      scf.if %cond3A_63 {
        %sub3A_121 = arith.constant 1 : i32
        %sub3A_122 = arith.subi %add3A_61, %sub3A_121 : i32
        %jit3A_123 = arith.constant 4 : i32
        %eq3A_124 = arith.constant 0 : i32
        %eq3A_125 = arith.cmpi eq, %jit3A_123, %eq3A_124 : i32
        %jit3A_126 = arith.constant 1 : i32
        %select_n3A_127 = arith.select %eq3A_125, %jit3A_126, %jit3A_123 : i32
        %rem3A_128 = arith.remsi %sub3A_122, %select_n3A_127 : i32
        %ne3A_129 = arith.constant 0 : i32
        %ne3A_130 = arith.cmpi ne, %rem3A_128, %ne3A_129 : i32
        %lt3A_131 = arith.constant 0 : i32
        %lt3A_132 = arith.cmpi slt, %rem3A_128, %lt3A_131 : i32
        %lt3A_133 = arith.constant 0 : i32
        %lt3A_134 = arith.cmpi slt, %select_n3A_127, %lt3A_133 : i32
        %ne3A_135 = arith.xori %lt3A_132, %lt3A_134 : i1
        %and3A_136 = arith.andi %ne3A_135, %ne3A_130 : i1
        %add3A_137 = arith.addi %rem3A_128, %select_n3A_127 : i32
        %select_n3A_138 = arith.select %and3A_136, %add3A_137, %rem3A_128 : i32
        %dma_wait3A_139 = arith.constant 0 : i32
        %dma_wait3A_140 = arith.constant 0 : i32
        %dma_wait3A_141 = tpu.memref_slice %arg6[%select_n3A_138, %dma_wait3A_139, %dma_wait3A_140] : memref<4x128x128xf32, #tpu.memory_space<vmem>> -> memref<1x128x128xf32, #tpu.memory_space<vmem>>
        %dma_wait3A_142 = tpu.memref_squeeze %dma_wait3A_141 : memref<1x128x128xf32, #tpu.memory_space<vmem>> -> memref<128x128xf32, #tpu.memory_space<vmem>>
        %dma_wait3A_143 = arith.constant 0 : i32
        %dma_wait3A_144 = tpu.memref_slice %arg4[%sub3A_122, %mul3A_2, %dma_wait3A_143] : memref<50x4096x128xf32, #tpu.memory_space<hbm>> -> memref<1x128x128xf32, #tpu.memory_space<hbm>>
        %dma_wait3A_145 = tpu.memref_squeeze %dma_wait3A_144 : memref<1x128x128xf32, #tpu.memory_space<hbm>> -> memref<128x128xf32, #tpu.memory_space<hbm>>
        %dma_wait3A_146 = arith.constant 0 : i32
        %dma_wait3A_147 = tpu.memref_slice %arg4[%sub3A_122, %mul3A_2, %dma_wait3A_146] : memref<50x4096x128xf32, #tpu.memory_space<hbm>> -> memref<1x128x128xf32, #tpu.memory_space<hbm>>
        %dma_wait3A_148 = tpu.memref_squeeze %dma_wait3A_147 : memref<1x128x128xf32, #tpu.memory_space<hbm>> -> memref<128x128xf32, #tpu.memory_space<hbm>>
        %dma_wait3A_149 = arith.constant 0 : i32
        %dma_wait3A_150 = arith.constant 0 : i32
        %dma_wait3A_151 = tpu.memref_slice %arg6[%select_n3A_138, %dma_wait3A_149, %dma_wait3A_150] : memref<4x128x128xf32, #tpu.memory_space<vmem>> -> memref<1x128x128xf32, #tpu.memory_space<vmem>>
        %dma_wait3A_152 = tpu.memref_squeeze %dma_wait3A_151 : memref<1x128x128xf32, #tpu.memory_space<vmem>> -> memref<128x128xf32, #tpu.memory_space<vmem>>
        tpu.wait_dma2 semaphore(%arg8 : memref<!tpu.dma_semaphore, #tpu.memory_space<semaphore_mem>>) src(%dma_wait3A_152 : memref<128x128xf32, #tpu.memory_space<vmem>>) dst(%dma_wait3A_148 : memref<128x128xf32, #tpu.memory_space<hbm>>)
      } else {
      }
      %add3A_64 = arith.constant 4 : i32
      %add3A_65 = arith.addi %add3A_61, %add3A_64 : i32
      %sub3A = arith.constant 1 : i32
      %sub3A_66 = arith.subi %add3A_65, %sub3A : i32
      %lt3A = arith.constant 50 : i32
      %lt3A_67 = arith.cmpi slt, %sub3A_66, %lt3A : i32
      %convert_element_type3A_68 = arith.extui %lt3A_67 : i1 to i32
      %cond3A_69 = arith.constant 0 : i32
      %cond3A_70 = arith.cmpi ne, %convert_element_type3A_68, %cond3A_69 : i32
      scf.if %cond3A_70 {
        %add3A_121 = arith.constant 4 : i32
        %add3A_122 = arith.addi %add3A_61, %add3A_121 : i32
        %sub3A_123 = arith.constant 1 : i32
        %sub3A_124 = arith.subi %add3A_122, %sub3A_123 : i32
        %jit3A_125 = arith.constant 4 : i32
        %eq3A_126 = arith.constant 0 : i32
        %eq3A_127 = arith.cmpi eq, %jit3A_125, %eq3A_126 : i32
        %jit3A_128 = arith.constant 1 : i32
        %select_n3A_129 = arith.select %eq3A_127, %jit3A_128, %jit3A_125 : i32
        %rem3A_130 = arith.remsi %sub3A_124, %select_n3A_129 : i32
        %ne3A_131 = arith.constant 0 : i32
        %ne3A_132 = arith.cmpi ne, %rem3A_130, %ne3A_131 : i32
        %lt3A_133 = arith.constant 0 : i32
        %lt3A_134 = arith.cmpi slt, %rem3A_130, %lt3A_133 : i32
        %lt3A_135 = arith.constant 0 : i32
        %lt3A_136 = arith.cmpi slt, %select_n3A_129, %lt3A_135 : i32
        %ne3A_137 = arith.xori %lt3A_134, %lt3A_136 : i1
        %and3A_138 = arith.andi %ne3A_137, %ne3A_132 : i1
        %add3A_139 = arith.addi %rem3A_130, %select_n3A_129 : i32
        %select_n3A_140 = arith.select %and3A_138, %add3A_139, %rem3A_130 : i32
        %dma_start3A_141 = arith.constant 0 : i32
        %dma_start3A_142 = arith.constant 0 : i32
        %dma_start3A_143 = tpu.memref_slice %arg6[%select_n3A_140, %dma_start3A_141, %dma_start3A_142] : memref<4x128x128xf32, #tpu.memory_space<vmem>> -> memref<1x128x128xf32, #tpu.memory_space<vmem>>
        %dma_start3A_144 = tpu.memref_squeeze %dma_start3A_143 : memref<1x128x128xf32, #tpu.memory_space<vmem>> -> memref<128x128xf32, #tpu.memory_space<vmem>>
        %dma_start3A_145 = arith.constant 0 : i32
        %dma_start3A_146 = tpu.memref_slice %arg5[%sub3A_124, %dma_start3A_145] : memref<50x128xi32, #tpu.memory_space<vmem>> -> memref<1x128xi32, #tpu.memory_space<vmem>>
        %dma_start3A_147 = tpu.memref_squeeze %dma_start3A_146 : memref<1x128xi32, #tpu.memory_space<vmem>> -> memref<128xi32, #tpu.memory_space<vmem>>
        %dma_start3A_148 = arith.constant 0 : i32
        %dma_start3A_149 = arith.constant 0 : i32
        %dma_start3A_150 = tpu.memref_slice %arg3[%dma_start3A_148, %dma_start3A_149] : memref<100000x128xf32, #tpu.memory_space<hbm>> -> memref<100000x128xf32, #tpu.memory_space<hbm>>
        tpu.enqueue_indirect_dma source(%dma_start3A_150 : memref<100000x128xf32, #tpu.memory_space<hbm>>) target(%dma_start3A_144 : memref<128x128xf32, #tpu.memory_space<vmem>>) offsets(%dma_start3A_147 : memref<128xi32, #tpu.memory_space<vmem>>) semaphore(%arg7 : memref<!tpu.dma_semaphore, #tpu.memory_space<semaphore_mem>>)
      } else {
      }
      %jit3A = arith.constant 4 : i32
      %eq3A = arith.constant 0 : i32
      %eq3A_71 = arith.cmpi eq, %jit3A, %eq3A : i32
      %jit3A_72 = arith.constant 1 : i32
      %select_n3A = arith.select %eq3A_71, %jit3A_72, %jit3A : i32
      %rem3A = arith.remsi %add3A_61, %select_n3A : i32
      %ne3A = arith.constant 0 : i32
      %ne3A_73 = arith.cmpi ne, %rem3A, %ne3A : i32
      %lt3A_74 = arith.constant 0 : i32
      %lt3A_75 = arith.cmpi slt, %rem3A, %lt3A_74 : i32
      %lt3A_76 = arith.constant 0 : i32
      %lt3A_77 = arith.cmpi slt, %select_n3A, %lt3A_76 : i32
      %ne3A_78 = arith.xori %lt3A_75, %lt3A_77 : i1
      %and3A = arith.andi %ne3A_78, %ne3A_73 : i1
      %add3A_79 = arith.addi %rem3A, %select_n3A : i32
      %select_n3A_80 = arith.select %and3A, %add3A_79, %rem3A : i32
      %dma_wait3A_81 = arith.constant 0 : i32
      %dma_wait3A_82 = arith.constant 0 : i32
      %dma_wait3A_83 = tpu.memref_slice %arg6[%select_n3A_80, %dma_wait3A_81, %dma_wait3A_82] : memref<4x128x128xf32, #tpu.memory_space<vmem>> -> memref<1x128x128xf32, #tpu.memory_space<vmem>>
      %dma_wait3A_84 = tpu.memref_squeeze %dma_wait3A_83 : memref<1x128x128xf32, #tpu.memory_space<vmem>> -> memref<128x128xf32, #tpu.memory_space<vmem>>
      %dma_wait3A_85 = arith.constant 0 : i32
      %dma_wait3A_86 = tpu.memref_slice %arg5[%add3A_61, %dma_wait3A_85] : memref<50x128xi32, #tpu.memory_space<vmem>> -> memref<1x128xi32, #tpu.memory_space<vmem>>
      %dma_wait3A_87 = tpu.memref_squeeze %dma_wait3A_86 : memref<1x128xi32, #tpu.memory_space<vmem>> -> memref<128xi32, #tpu.memory_space<vmem>>
      %dma_wait3A_88 = arith.constant 0 : i32
      %dma_wait3A_89 = arith.constant 0 : i32
      %dma_wait3A_90 = tpu.memref_slice %arg3[%dma_wait3A_88, %dma_wait3A_89] : memref<100000x128xf32, #tpu.memory_space<hbm>> -> memref<100000x128xf32, #tpu.memory_space<hbm>>
      tpu.wait_indirect_dma semaphore(%arg7 : memref<!tpu.dma_semaphore, #tpu.memory_space<semaphore_mem>>) src(%dma_wait3A_90 : memref<100000x128xf32, #tpu.memory_space<hbm>>) dst(%dma_wait3A_84 : memref<128x128xf32, #tpu.memory_space<vmem>>)
      %jit3A_91 = arith.constant 4 : i32
      %eq3A_92 = arith.constant 0 : i32
      %eq3A_93 = arith.cmpi eq, %jit3A_91, %eq3A_92 : i32
      %jit3A_94 = arith.constant 1 : i32
      %select_n3A_95 = arith.select %eq3A_93, %jit3A_94, %jit3A_91 : i32
      %rem3A_96 = arith.remsi %add3A_61, %select_n3A_95 : i32
      %ne3A_97 = arith.constant 0 : i32
      %ne3A_98 = arith.cmpi ne, %rem3A_96, %ne3A_97 : i32
      %lt3A_99 = arith.constant 0 : i32
      %lt3A_100 = arith.cmpi slt, %rem3A_96, %lt3A_99 : i32
      %lt3A_101 = arith.constant 0 : i32
      %lt3A_102 = arith.cmpi slt, %select_n3A_95, %lt3A_101 : i32
      %ne3A_103 = arith.xori %lt3A_100, %lt3A_102 : i1
      %and3A_104 = arith.andi %ne3A_103, %ne3A_98 : i1
      %add3A_105 = arith.addi %rem3A_96, %select_n3A_95 : i32
      %select_n3A_106 = arith.select %and3A_104, %add3A_105, %rem3A_96 : i32
      %dma_start3A_107 = arith.constant 0 : i32
      %dma_start3A_108 = arith.constant 0 : i32
      %dma_start3A_109 = tpu.memref_slice %arg6[%select_n3A_106, %dma_start3A_107, %dma_start3A_108] : memref<4x128x128xf32, #tpu.memory_space<vmem>> -> memref<1x128x128xf32, #tpu.memory_space<vmem>>
      %dma_start3A_110 = tpu.memref_squeeze %dma_start3A_109 : memref<1x128x128xf32, #tpu.memory_space<vmem>> -> memref<128x128xf32, #tpu.memory_space<vmem>>
      %dma_start3A_111 = arith.constant 0 : i32
      %dma_start3A_112 = tpu.memref_slice %arg4[%add3A_61, %mul3A_2, %dma_start3A_111] : memref<50x4096x128xf32, #tpu.memory_space<hbm>> -> memref<1x128x128xf32, #tpu.memory_space<hbm>>
      %dma_start3A_113 = tpu.memref_squeeze %dma_start3A_112 : memref<1x128x128xf32, #tpu.memory_space<hbm>> -> memref<128x128xf32, #tpu.memory_space<hbm>>
      %dma_start3A_114 = arith.constant 0 : i32
      %dma_start3A_115 = tpu.memref_slice %arg4[%add3A_61, %mul3A_2, %dma_start3A_114] : memref<50x4096x128xf32, #tpu.memory_space<hbm>> -> memref<1x128x128xf32, #tpu.memory_space<hbm>>
      %dma_start3A_116 = tpu.memref_squeeze %dma_start3A_115 : memref<1x128x128xf32, #tpu.memory_space<hbm>> -> memref<128x128xf32, #tpu.memory_space<hbm>>
      %dma_start3A_117 = arith.constant 0 : i32
      %dma_start3A_118 = arith.constant 0 : i32
      %dma_start3A_119 = tpu.memref_slice %arg6[%select_n3A_106, %dma_start3A_117, %dma_start3A_118] : memref<4x128x128xf32, #tpu.memory_space<vmem>> -> memref<1x128x128xf32, #tpu.memory_space<vmem>>
      %dma_start3A_120 = tpu.memref_squeeze %dma_start3A_119 : memref<1x128x128xf32, #tpu.memory_space<vmem>> -> memref<128x128xf32, #tpu.memory_space<vmem>>
      tpu.enqueue_dma source(%dma_start3A_120 : memref<128x128xf32, #tpu.memory_space<vmem>>) target(%dma_start3A_116 : memref<128x128xf32, #tpu.memory_space<hbm>>) target_semaphore(%arg8 : memref<!tpu.dma_semaphore, #tpu.memory_space<semaphore_mem>>)
    }
    %scan3A_41 = arith.constant 50 : i32
    %dma_wait3A = arith.constant 1 : i32
    %dma_wait3A_42 = arith.constant 49 : i32
    %dma_wait3A_43 = arith.constant 0 : i32
    %dma_wait3A_44 = arith.constant 0 : i32
    %dma_wait3A_45 = tpu.memref_slice %arg6[%dma_wait3A, %dma_wait3A_43, %dma_wait3A_44] : memref<4x128x128xf32, #tpu.memory_space<vmem>> -> memref<1x128x128xf32, #tpu.memory_space<vmem>>
    %dma_wait3A_46 = tpu.memref_squeeze %dma_wait3A_45 : memref<1x128x128xf32, #tpu.memory_space<vmem>> -> memref<128x128xf32, #tpu.memory_space<vmem>>
    %dma_wait3A_47 = arith.constant 0 : i32
    %dma_wait3A_48 = tpu.memref_slice %arg4[%dma_wait3A_42, %mul3A_2, %dma_wait3A_47] : memref<50x4096x128xf32, #tpu.memory_space<hbm>> -> memref<1x128x128xf32, #tpu.memory_space<hbm>>
    %dma_wait3A_49 = tpu.memref_squeeze %dma_wait3A_48 : memref<1x128x128xf32, #tpu.memory_space<hbm>> -> memref<128x128xf32, #tpu.memory_space<hbm>>
    %dma_wait3A_50 = arith.constant 0 : i32
    %dma_wait3A_51 = tpu.memref_slice %arg4[%dma_wait3A_42, %mul3A_2, %dma_wait3A_50] : memref<50x4096x128xf32, #tpu.memory_space<hbm>> -> memref<1x128x128xf32, #tpu.memory_space<hbm>>
    %dma_wait3A_52 = tpu.memref_squeeze %dma_wait3A_51 : memref<1x128x128xf32, #tpu.memory_space<hbm>> -> memref<128x128xf32, #tpu.memory_space<hbm>>
    %dma_wait3A_53 = arith.constant 0 : i32
    %dma_wait3A_54 = arith.constant 0 : i32
    %dma_wait3A_55 = tpu.memref_slice %arg6[%dma_wait3A, %dma_wait3A_53, %dma_wait3A_54] : memref<4x128x128xf32, #tpu.memory_space<vmem>> -> memref<1x128x128xf32, #tpu.memory_space<vmem>>
    %dma_wait3A_56 = tpu.memref_squeeze %dma_wait3A_55 : memref<1x128x128xf32, #tpu.memory_space<vmem>> -> memref<128x128xf32, #tpu.memory_space<vmem>>
    tpu.wait_dma2 semaphore(%arg8 : memref<!tpu.dma_semaphore, #tpu.memory_space<semaphore_mem>>) src(%dma_wait3A_56 : memref<128x128xf32, #tpu.memory_space<vmem>>) dst(%dma_wait3A_52 : memref<128x128xf32, #tpu.memory_space<hbm>>)
    return
  }
}

</mosaic_0001>

<sc_bundles>
// kernel: kernel.3.cloned.1.call-start
scs
__scs_entry_jumppad:
0x0: {  	(pc) =	sbr.rel $0x88, $3  }
0x1: {  	(tag) =	ssettag $0x0;
	lr =	simm.s32 $0x1  }
0x2: {  	[smem:$0x3F9F] =	sst lr;
	_ =	strace $0xD0000000  }
0x3: {  	_ = 	snop  }
0x4: {  	_ = 	snop  }
0x5: {  	_ = 	snop  }
0x6: {  	_ = 	snop  }
0x7: {  	_ = 	snop  }
__scs_overlays_trampoline_lowered:
0x8: {  	[smem:$0x3FAE] =	sst s0  }
0x9: {  	[smem:$0x3FAF] =	sst s1  }
0xa: {  	[smem:$0x3FB0] =	sst s2  }
0xb: {  	[smem:$0x3FB1] =	sst s3  }
0xc: {  	[smem:$0x3FB2] =	sst s4  }
0xd: {  	[smem:$0x3FB3] =	sst s5  }
0xe: {  	[smem:$0x3FB4] =	sst s6  }
0xf: {  	[smem:$0x3FB5] =	sst s7  }
0x10: {  	[smem:$0x3FB6] =	sst s8  }
0x11: {  	[smem:$0x3FB7] =	sst s9;
	s0 =	simm.s32 @!p0 $0x0  }
0x12: {  	s1 =	sld [smem:$0x3F9D];
	s0 =	simm.s32 @p0 $0x1  }
0x13: {  	[smem:$0x3FB8] =	sst s0;
	s0 =	simm.s32 @!p1 $0x0  }
0x14: {  	s2 =	sld [smem:$0x3F9C];
	s0 =	simm.s32 @p1 $0x1  }
0x15: {  	[smem:$0x3FB9] =	sst s0;
	s0 =	simm.s32 @!p2 $0x0  }
0x16: {  	s3 =	sld [smem:$0x3FDB];
	s0 =	simm.s32 @p2 $0x1  }
0x17: {  	s4 =	simm.s32 $0x1BF5;
	[smem:$0x3FBB] =	sst s0  }
0x18: {  	s0 =	sld [smem:$0x3F9E];
	_ =	swait.ge [sflag:s4], $0x0  }
0x19: {  	s7 =	sld [smem:$0x3F9F]  }
0x1a: {  	s8 =	sadd.s32 $0xFFFFE003, lr  }
0x1b: {  	s9 =	sadd.s32 $0xFFFFFEF7, lr;
	s5 =	simm.s32 $0xFFFFFFFF;
	p2 =	slt.u32 s8, $0xFFFFF086  }
0x1c: {  	p1 =	slt.u32 s9, $0xF7A;
	s5 =	simm.s32 @!p2 $0x0  }
0x1d: {  	s5 =	simm.s32 @p1 $0x1;
	p0 =	seq.s32 s7, s2  }
0x1e: {  	s7 =	smul.u32 @!p0 $0xF7A, s2;
	p2 =	seq.s32 @!p0 s5, $0x0  }
0x1f: {  	s9 =	smul.u32 $0xF7A, s1;
	s8 =	simm.s32 @!p0 $0x1BF5;
	p2 =	por !p2, p0  }
0x20: {  	[sflag:s8] =	ssyncset.s32 @!p0 $0xFFFFF086;
	s6 =	sadd.s32 @!p0 s3, s7;
	s7 =	simm.s32 @!p0 $0x108  }
0x21: {  	s3 =	sadd.s32 s3, s9;
	s6 =	sadd.s32 @!p0 $0x88, s6;
	s7 =	simm.s32 @p2 $0x1082  }
0x22: {  	[simem:s7], [sflag:s8] =	dma.local @!p0 [hbm:s6], $0xF7A  }
0x23: {  	s9 =	sor.u32 $0xD0000000, s2;
	s6 =	simm.s32 $0x108;
	_ =	swait.ge @!p0 [sflag:s8], $0x0  }
0x24: {  	s3 =	sadd.s32 $0x88, s3;
	s6 =	simm.s32 @!p1 $0x1082;
	[sflag:s4] =	ssyncset.s32 $0xFFFFF086  }
0x25: {  	[simem:s6], [sflag:s4] =	dma.local [hbm:s3], $0xF7A  }
0x26: {  	[smem:$0x3F9F] =	sst s1;
	(tag) =	ssettag s2;
	_ =	strace s9  }
0x27: {  	s1 =	sld [smem:$0x3FAF]  }
0x28: {  	s2 =	sld [smem:$0x3FB0]  }
0x29: {  	s4 =	sld [smem:$0x3FB2]  }
0x2a: {  	p0 =	seq.s32 s5, $0x0;
	s5 =	sld [smem:$0x3FB3]  }
0x2b: {  	s6 =	sld [smem:$0x3FB4]  }
0x2c: {  	s7 =	sld [smem:$0x3FB5]  }
0x2d: {  	s3 =	simm.s32 $0x108;
	s8 =	sld [smem:$0x3FB6]  }
0x2e: {  	s3 =	simm.s32 @!p0 $0x1082;
	s9 =	sld [smem:$0x3FB7]  }
0x2f: {  	lr =	sadd.s32 s0, s3;
	s0 =	sld [smem:$0x3FAE]  }
0x30: {  	s3 =	sld [smem:$0x3FB1]  }
0x31: {  	[smem:$0x3FBA] =	sst s10  }
0x32: {  	s10 =	sld [smem:$0x3FB8];
	_ =	sdelay $0x3  }
0x33: {  	p0 =	seq.s32 s10, $0x1;
	s10 =	sld [smem:$0x3FBA];
	_ =	sdelay $0x3  }
0x34: {  	[smem:$0x3FBA] =	sst s10  }
0x35: {  	s10 =	sld [smem:$0x3FB9];
	_ =	sdelay $0x3  }
0x36: {  	p1 =	seq.s32 s10, $0x1;
	s10 =	sld [smem:$0x3FBA];
	_ =	sdelay $0x3  }
0x37: {  	[smem:$0x3FBA] =	sst s10  }
0x38: {  	s10 =	sld [smem:$0x3FBB]  }
0x39: {  	_ = 	snop;
	(pc) =	sbr.ind lr, $3  }
0x3a: {  	_ = 	snop  }
0x3b: {  	_ = 	snop  }
0x3c: {  	p2 =	seq.s32 s10, $0x1;
	s10 =	sld [smem:$0x3FBA]  }
0x3d: {  	_ =	shalt  }
0x3e: {  	_ =	shalt  }
0x3f: {  	_ =	shalt  }
0x40: {  	_ =	shalt  }
0x41: {  	_ =	shalt  }
0x42: {  	_ =	shalt  }
0x43: {  	_ =	shalt  }
0x44: {  	_ =	shalt  }
0x45: {  	_ =	shalt  }
0x46: {  	_ =	shalt  }
0x47: {  	_ =	shalt  }
0x48: {  	_ =	shalt  }
0x49: {  	_ =	shalt  }
0x4a: {  	_ =	shalt  }
0x4b: {  	_ =	shalt  }
0x4c: {  	_ =	shalt  }
0x4d: {  	_ =	shalt  }
0x4e: {  	_ =	shalt  }
0x4f: {  	_ =	shalt  }
0x50: {  	_ =	shalt  }
0x51: {  	_ =	shalt  }
0x52: {  	_ =	shalt  }
0x53: {  	_ =	shalt  }
0x54: {  	_ =	shalt  }
0x55: {  	_ =	shalt  }
0x56: {  	_ =	shalt  }
0x57: {  	_ =	shalt  }
0x58: {  	_ =	shalt  }
0x59: {  	_ =	shalt  }
0x5a: {  	_ =	shalt  }
0x5b: {  	_ =	shalt  }
0x5c: {  	_ =	shalt  }
0x5d: {  	_ =	shalt  }
0x5e: {  	_ =	shalt  }
0x5f: {  	_ =	shalt  }
0x60: {  	_ =	shalt  }
0x61: {  	_ =	shalt  }
0x62: {  	_ =	shalt  }
0x63: {  	_ =	shalt  }
0x64: {  	_ =	shalt  }
0x65: {  	_ =	shalt  }
0x66: {  	_ =	shalt  }
0x67: {  	_ =	shalt  }
0x68: {  	_ =	shalt  }
0x69: {  	_ =	shalt  }
0x6a: {  	_ =	shalt  }
0x6b: {  	_ =	shalt  }
0x6c: {  	_ =	shalt  }
0x6d: {  	_ =	shalt  }
0x6e: {  	_ =	shalt  }
0x6f: {  	_ =	shalt  }
0x70: {  	_ =	shalt  }
0x71: {  	_ =	shalt  }
0x72: {  	_ =	shalt  }
0x73: {  	_ =	shalt  }
0x74: {  	_ =	shalt  }
0x75: {  	_ =	shalt  }
0x76: {  	_ =	shalt  }
0x77: {  	_ =	shalt  }
0x78: {  	_ =	shalt  }
0x79: {  	_ =	shalt  }
0x7a: {  	_ =	shalt  }
0x7b: {  	_ =	shalt  }
0x7c: {  	_ =	shalt  }
0x7d: {  	_ =	shalt  }
0x7e: {  	_ =	shalt  }
0x7f: {  	_ =	shalt  }
0x80: {  	_ =	shalt  }
0x81: {  	_ =	shalt  }
0x82: {  	_ =	shalt  }
0x83: {  	_ =	shalt  }
0x84: {  	_ =	shalt  }
0x85: {  	_ =	shalt  }
0x86: {  	_ =	shalt  }
0x87: {  	_ =	shalt  }
.Lfunc_end0:
.L_simem_size_0:
called_computation_lowered:
.L_overlay_start_0:
0x88: {  	s2 =	sld [smem:$0x3FD9]  }
0x89: {  	s3 =	sld [smem:$0x3FFE];
	_ =	sdelay $0x1  }
0x8a: {  	s1 =	srdreg.scid  }
0x8b: {  	s0 =	sand.u32 $0x1, s1  }
0x8c: {  	s18 =	sshll.u32 s0, $0xA;
	s2 =	sadd.s32 s3, s2  }
0x8d: {  	s2 =	sadd.s32 s2, s18  }
0x8e: {  	[smem:$0x3FC6] =	sst s2  }
0x8f: {  	_ = 	snop  }
0x90: {  	s2 =	sld [smem:$0x3FC9]  }
0x91: {  	s19 =	sld [smem:$0x3FC8]  }
0x92: {  	s4 =	sld [smem:$0x3FD0];
	(tm) =	ssettm $0x1  }
0x93: {  	s5 =	sld [smem:$0x3FFB];
	_ =	sdelay $0x3  }
0x94: {  	_ =	strace s5  }
0x95: {  	s5 =	sld [smem:$0x3FFC];
	_ =	sdelay $0x3  }
0x96: {  	_ =	strace s5  }
0x97: {  	s5 =	sld [smem:$0x3FFD];
	_ =	sdelay $0x3  }
0x98: {  	_ =	strace s5  }
0x99: {  	_ =	strace $0x8FFFFFFF  }
0x9a: {  	s20 =	sld [smem:$0x3FDB];
	_ =	sdelay $0x1  }
0x9b: {  	s6 =	simm.s32 $_scs_section_size  }
0x9c: {  	s7 =	simm.s32 $_size__tile_overlayer_lowered;
	s8 =	simm.s32 $_tile_overlayer_lowered  }
0x9d: {  	s23 =	simm.s32 $0x1BFF;
	s22 =	sshll.u32 s8, $0x1;
	s5 =	sadd.s32 s6, s20  }
0x9e: {  	s9 =	simm.s32 $0x0;
	s21 =	sshll.u32 s7, $0x1;
	s7 =	sadd.s32 s22, s5  }
0x9f: {  	[timem:s9], [sflag:s23] =	dma.local [hbm:s7], s21  }
0xa0: {  	_ =	swait.ge [sflag:s23], s21  }
0xa1: {  	s6 =	ssub.s32 $0x0, s21;
	[sflag:s23] =	ssyncset.done $0x0  }
0xa2: {  	[sflag:s23] =	ssyncadd.s32 s6;
	_ =	sdelay $0x1  }
0xa3: {  	s24 =	simm.s32 $0x1B8B  }
0xa4: {  	_ =	swait.ge [sflag:s24], $0x1  }
0xa5: {  	[sflag:s24] =	ssyncset.done $0x0  }
0xa6: {  	s25 =	simm.s32 $0x1B8E;
	[sflag:s24] =	ssyncadd.s32 $0xFFFFFFFF  }
0xa7: {  	s26 =	simm.s32 $execute0_lowered;
	[smem:$0x3FD2] =	sst s25  }
0xa8: {  	s6 =	sshll.u32 s26, $0x1;
	_ =	strace $0x80000046;
	[dreg:$0x1] =	wrdreg $0xFFFFFFFF  }
0xa9: {  	s28 =	simm.s32 $_size_execute0_lowered;
	s5 =	sadd.s32 s5, s6;
	[dreg:$0x0] =	wrdreg $0x0  }
0xaa: {  	s6 =	sshll.u32 s28, $0x1;
	[dreg:$0x2] =	wrdreg s5  }
0xab: {  	[dreg:$0x3] =	wrdreg s6  }
0xac: {  	[dreg:$0x4] =	wrdreg $0xC0  }
0xad: {  	_ =	task [dreg:s9], $0x5FFFF  }
0xae: {  	[dreg:$0x1] =	wrdreg $0xFFFFFFFF  }
0xaf: {  	[dreg:$0x0] =	wrdreg $0x60  }
0xb0: {  	[dreg:$0x2] =	wrdreg s2  }
0xb1: {  	[dreg:$0x3] =	wrdreg s19  }
0xb2: {  	[dreg:$0x4] =	wrdreg s4  }
0xb3: {  	[dreg:$0x5] =	wrdreg $0x9  }
0xb4: {  	_ =	task.clear_ibuf [dreg:s9], $0x6FFFF;
	_ =	strace $0x90000046  }
0xb5: {  	s29 =	simm.s32 $0x9;
	_ =	strace $0x80000048  }
0xb6: {  	_ =	swait.ge [sflag:s29], $0x1  }
0xb7: {  	[sflag:s29] =	ssyncadd.s32 $0xFFFFFFFF  }
0xb8: {  	_ =	strace $0x90000048  }
0xb9: {  	_ =	sfence  }
0xba: {  	s30 =	sld [smem:$0x0];
	_ =	sdelay $0x2  }
0xbb: {  	s31 =	sshll.u32 s1, $0xD;
	s1 =	sshrl.u32 s1, $0x2  }
0xbc: {  	s3 =	sand.u32 $0x4000, s31;
	s1 =	sadd.s32 s1, s30  }
0xbd: {  	s0 =	sor.u32 s3, s0;
	s1 =	sshll.u32 s1, $0x11  }
0xbe: {  	s0 =	sor.u32 s1, s0  }
0xbf: {  	s0 =	sadd.s32 $0x8F2B, s0  }
0xc0: {  	[sflag:s0] =	ssyncadd.remote.s32 $0x1  }
0xc1: {  	_ =	sfence.sel $0xFFFF  }
0xc2: {  	[dreg:$0x0] =	wrdreg $0xFFFFFFFF;
	(pc) =	sbr.abs _section_cstart, $3  }
0xc3: {  	[dreg:$0x1] =	wrdreg $0xFFFFFFFF  }
0xc4: {  	_ =	task.clear_ibuf [dreg:s9], $0x2FFFF;
	_ =	strace $0x9FFFFFFF  }
0xc5: {  	(tm) =	ssettm $0x7FFFFFFF  }
tec
execute0_lowered:
.L_overlay_start_1:
0x0: {  	(tag) =	ssettag $0x1  }
0x1: {  	s4 =	rddreg [dreg:$0x0]  }
0x2: {  	s1 =	rddreg [dreg:$0x1]  }
0x3: {  	s6 =	rddreg [dreg:$0x2]  }
0x4: {  	s0 =	rddreg [dreg:$0x3];
	s2 =	simm.s32 $0x0  }
0x5: {  	s3 =	srdreg.scid;
	s11 =	simm.s32 $0x1C00;
	s12 =	simm.s32 $0x5C00  }
0x6: {  	s13 =	simm.s32 $0x100;
	s14 =	simm.s32 $0x9C00;
	s15 =	simm.s32 $0x8000  }
0x7: {  	s16 =	simm.s32 $0x400;
	s18 =	simm.s32 $0x1800;
	s19 =	simm.s32 $0x180  }
0x8: {  	s20 =	simm.s32 $0xDC00;
	s21 =	simm.s32 $0x2;
	s22 =	simm.s32 $0x1  }
0x9: {  	s23 =	simm.s32 $0x0;
	[smem:$0x7FF] =	sst s2;
	s5 =	sand.u32 $0x1, s3  }
0xa: {  	s3 =	stileid.u32;
	_ =	strace $0x80000047;
	s7 =	ssub.s32 $0x2, s5  }
0xb: {  	s9 =	sshll.u32 s3, $0x8;
	s10 =	sshll.u32 s5, $0x7;
	s30 =	sshll.u32 s3, $0xC  }
0xc: {  	s31 =	sshll.u32 s5, $0xB;
	s8 =	sshrl.u32 s7, $0x1;
	s29 =	sor.u32 s10, s9  }
0xd: {  	s9 =	sadd.s32 s30, s6;
	s10 =	simm.s32 $0x80;
	s7 =	ssub.s32 s7, s8  }
0xe: {  	s4 =	sadd.s32 s4, s29;
	s8 =	sshll.u32 s29, $0x4;
	s9 =	sadd.s32 s31, s9  }
0xf: {  	s5 =	sadd.s32 $0x1000, s4;
	s6 =	sadd.s32 s6, s8;
	s7 =	smax.u32 s7, $0x1  }
0x10: {  	s8 =	sadd.s32 $0x10000, s9;
	s9 =	simm.s32 $0x3;
	s17 =	sadd.s32 $0x5000, s5  }
.LBB2_1:
0x11: {  	[tilespmem:s2], [sflag:$0x3] =	stream.linear.gather [hbm4b:s4+s2], $0x400, $0x38;
	[tilespmem:$0x11C00] =	vst v63  }
0x12: {  	_ =	swait.ge [sflag:s9], $0x400  }
0x13: {  	[sflag:s9] =	ssyncset.done $0x0  }
0x14: {  	[sflag:s9] =	ssyncadd.s32 $0xFFFFFC00  }
0x15: {  	[tilespmem:s11], [sflag:$0x1] =	stream.indirect.gather [hbm4b:s1+s10], $0x80, s2, s10, $0xb8;
	[tilespmem:$0x11C00] =	vst v63  }
0x16: {  	_ = 	snop  }
0x17: {  	[tilespmem:s12], [sflag:$0x1] =	stream.indirect.gather [hbm4b:s1+s10], $0x80, s10, s10, $0xb8;
	[tilespmem:$0x11C00] =	vst v63  }
0x18: {  	_ = 	snop  }
0x19: {  	[tilespmem:s14], [sflag:$0x1] =	stream.indirect.gather [hbm4b:s1+s10], $0x80, s13, s10, $0xb8;
	[tilespmem:$0x11C00] =	vst v63  }
0x1a: {  	_ = 	snop  }
0x1b: {  	[tilespmem:s16], [sflag:$0x3] =	stream.strided.gather [hbm4b:s5+s16], $0x1400, s15, s16, $0x38;
	[tilespmem:$0x11C00] =	vst v63  }
0x1c: {  	_ = 	snop  }
0x1d: {  	[tilespmem:s18], [sflag:$0x3] =	stream.linear.gather [hbm4b:s17+s2], $0x100, $0x38;
	[tilespmem:$0x11C00] =	vst v63  }
0x1e: {  	_ =	swait.ge [sflag:s9], $0x1500  }
0x1f: {  	[sflag:s9] =	ssyncset.done $0x0  }
0x20: {  	[sflag:s9] =	ssyncadd.s32 $0xFFFFEB00  }
0x21: {  	[tilespmem:s20], [sflag:$0x1] =	stream.indirect.gather [hbm4b:s1+s10], $0x80, s19, s10, $0xb8;
	[tilespmem:$0x11C00] =	vst v63  }
0x22: {  	_ =	swait.ge [sflag:s22], $0x4000  }
0x23: {  	[sflag:s22] =	ssyncset.done $0x0  }
0x24: {  	s25 =	simm.s32 $0x10000;
	s26 =	simm.s32 $0x200;
	[sflag:s22] =	ssyncadd.s32 $0xFFFFC000  }
0x25: {  	[hbm4b:s6+s2] =	stream.linear.scatter [tilespmem:s11], [sflag:$0x2], $0x4000, $0x38;
	[tilespmem:$0x11C00] =	vst v63  }
0x26: {  	p0 =	por $0x0, $0x0;
	s24 =	simm.s32 $0x2;
	_ =	swait.ge [sflag:s21], $0x4000  }
0x27: {  	s31 =	simm.s32 $0x4000;
	s25 =	sand.u32 @!p0 $0xC000, s25;
	[sflag:s21] =	ssyncset.done $0x0  }
0x28: {  	s28 =	simm.s32 @!p0 $0x80;
	s25 =	sor.u32 @!p0 $0x1C00, s25;
	[sflag:s21] =	ssyncadd.s32 $0xFFFFC000  }
0x29: {  	[tilespmem:s25], [sflag:$0x1] =	stream.indirect.gather @!p0 [hbm4b:s1+s28], $0x80, s26, s28, $0xb8;
	[tilespmem:$0x11C00] =	vst v63  }
0x2a: {  	s29 =	smov.u32 s8;
	s25 =	simm.s32 $0x280;
	_ =	swait.ge [sflag:s22], $0x4000  }
0x2b: {  	s28 =	sand.u32 $0xC000, s31;
	s26 =	simm.s32 $0x14000;
	[sflag:s22] =	ssyncset.done $0x0  }
0x2c: {  	s30 =	sor.u32 $0x1C00, s28;
	s28 =	sadd.s32 $0x10000, s8;
	[sflag:s22] =	ssyncadd.s32 $0xFFFFC000  }
.LBB2_2:
0x2d: {  	[hbm4b:s29+s2] =	stream.linear.scatter [tilespmem:s30], [sflag:$0x2], $0x4000, $0x38;
	[tilespmem:$0x11C00] =	vst v63  }
0x2e: {  	s30 =	smov.u32 s24;
	s24 =	sadd.s32 $0x1, s24;
	s29 =	smov.u32 s28  }
0x2f: {  	p1 =	sgt.u32 s30, $0x2E;
	p0 =	sne.s32 s24, $0x32;
	_ =	swait.ge [sflag:s21], $0x4000  }
0x30: {  	s30 =	sand.u32 @!p1 $0xC000, s26;
	s31 =	simm.s32 @!p1 $0x80;
	[sflag:s21] =	ssyncset.done $0x0  }
.Ltmp0:
0x31: {  	s30 =	sor.u32 @!p1 $0x1C00, s30;
	[sflag:s21] =	ssyncadd.s32 $0xFFFFC000;
	(pc) =	sbr.rel @p0 .LBB2_2-.Ltmp0, $4  }
0x32: {  	[tilespmem:s30], [sflag:$0x1] =	stream.indirect.gather @!p1 [hbm4b:s1+s31], $0x80, s25, s31, $0xb8;
	[tilespmem:$0x11C00] =	vst v63  }
0x33: {  	s30 =	sadd.s32 $0xFFFF4000, s26;
	s25 =	sadd.s32 $0x80, s25;
	_ =	swait.ge [sflag:s22], $0x4000  }
0x34: {  	s26 =	sadd.s32 $0x4000, s26;
	s30 =	sand.u32 $0xC000, s30;
	[sflag:s22] =	ssyncset.done $0x0  }
0x35: {  	s28 =	sadd.s32 $0x10000, s28;
	s30 =	sor.u32 $0x1C00, s30;
	[sflag:s22] =	ssyncadd.s32 $0xFFFFC000  }
0x36: {  	s23 =	sadd.s32 $0x1, s23  }
0x37: {  	p0 =	sne.s32 s23, s7  }
.Ltmp1:
0x38: {  	_ = 	snop;
	(pc) =	sbr.rel @p0 .LBB2_1-.Ltmp1, $4  }
0x39: {  	[hbm4b:s29+s2] =	stream.linear.scatter [tilespmem:s30], [sflag:$0x2], $0x4000, $0x38;
	[tilespmem:$0x11C00] =	vst v63  }
0x3a: {  	_ =	swait.ge [sflag:s21], $0x4000  }
0x3b: {  	[sflag:s21] =	ssyncset.done $0x0  }
0x3c: {  	[sflag:s21] =	ssyncadd.s32 $0xFFFFC000  }
0x3d: {  	_ =	sfence.sel $0x180000  }
0x3e: {  	[bflag:$0x0] =	sbarrier.arrive $0xFFFF  }
0x3f: {  	p0 =	sne.s32 s3, $0x0;
	_ =	strace $0x90000047  }
0x40: {  	s0 =	sadd.s32 @!p0 $0x100000, s0;
	[bflag:$0x2] =	sbarrier.arrive $0xFFFF  }
0x41: {  	[sflag:s0] =	ssyncadd.tile.s32 @!p0 $0x1;
	_ =	shalt  }
.Lfunc_end2:
_tile_overlayer_lowered:
.L_overlay_start_2:
0x42: {  	(tag) =	ssettag $0x2  }
0x43: {  	s0 =	rddreg [dreg:$0x0];
	s2 =	stileid.u32  }
0x44: {  	s1 =	rddreg [dreg:$0x1];
	p0 =	sne.s32 s2, $0x0  }
0x45: {  	s3 =	rddreg [dreg:$0x2];
	[bflag:$0x3] =	sbarrier.arrive $0xFFFF;
	s2 =	simm.s32 @!p0 $0x1C03  }
0x46: {  	[timem:s3], [sflag:s2] =	dma.local @!p0 [hbm:s0], s1  }
0x47: {  	s0 =	simm.s32 @!p0 $0x3  }
0x48: {  	_ =	swait.ge @!p0 [sflag:s0], s1  }
0x49: {  	s1 =	ssub.s32 @!p0 $0x0, s1;
	[sflag:s0] =	ssyncset.done @!p0 $0x0  }
0x4a: {  	[sflag:s0] =	ssyncadd.s32 @!p0 s1  }
0x4b: {  	[bflag:$0x3] =	sbarrier.arrive $0xFFFF  }
0x4c: {  	_ =	shalt  }

</sc_bundles>
